<compile_context>
chip_gen: v7x
topology: tpu7x:2x2x1
jax: 0.10.2.dev20260603
libtpu: 0.0.44.dev20260713+nightly
codegen_flags: <defaults>
</compile_context>

<pallas_src>
import functools

import jax
import jax.numpy as jnp
from jax import lax
from jax.experimental import pallas as pl
from jax.experimental.pallas import tpu as pltpu
from jax.experimental.pallas import tpu_sc as plsc

N = 10000
D = 128
E = 320000
R_PAD = 10240
D_PAD = 144
NW = 32
CHUNK = 128
CPT = 80
E_PAD = NW * CPT * CHUNK
ROWS_PER_TILE = R_PAD // 16
KB = ROWS_PER_TILE // CHUNK


def _sc_aggregate(x_aug, src3, dst3, zrows):
    mesh = plsc.VectorSubcoreMesh(core_axis_name="c", subcore_axis_name="s")

    @functools.partial(
        pl.kernel,
        mesh=mesh,
        compiler_params=pltpu.CompilerParams(use_tc_tiling_on_sc=False),
        out_type=jax.ShapeDtypeStruct((2 * R_PAD, D_PAD), jnp.float32),
        scratch_types=[
            pltpu.VMEM((CPT, CHUNK), jnp.int32),
            pltpu.VMEM((CPT, CHUNK), jnp.int32),
            pltpu.VMEM((CHUNK, D_PAD), jnp.float32),
            pltpu.VMEM_SHARED((R_PAD, D_PAD), jnp.float32),
            pltpu.SemaphoreType.DMA,
        ],
    )
    def body(x_hbm, src_hbm, dst_hbm, z_hbm, out_hbm,
             src_v, dst_v, rows_v, acc_sh, sem):
        cid = lax.axis_index("c")
        sid = lax.axis_index("s")
        w = cid * 16 + sid
        pltpu.sync_copy(src_hbm.at[w], src_v)
        pltpu.sync_copy(dst_hbm.at[w], dst_v)
        pltpu.sync_copy(z_hbm, rows_v)
        for k in range(KB):
            pltpu.sync_copy(
                rows_v, acc_sh.at[pl.ds(sid * ROWS_PER_TILE + k * CHUNK, CHUNK)])
        plsc.subcore_barrier()

        def step(j, carry):
            pltpu.async_copy(x_hbm.at[src_v.at[j]], rows_v, sem).wait()
            pltpu.sync_copy(rows_v, acc_sh.at[dst_v.at[j]], add=True)
            return carry

        lax.fori_loop(0, CPT, step, 0)
        plsc.subcore_barrier()
        for k in range(KB):
            r = sid * ROWS_PER_TILE + k * CHUNK
            pltpu.sync_copy(acc_sh.at[pl.ds(r, CHUNK)],
                            out_hbm.at[pl.ds(cid * R_PAD + r, CHUNK)])

    return body(x_aug, src3, dst3, zrows)


def _tc_finish(parts, W, b):
    w_pad = jnp.concatenate([W, jnp.zeros((D_PAD - D, D), jnp.float32)], axis=0)
    w_deg = jnp.zeros((D_PAD, D), jnp.float32).at[D].set(1.0)
    b2 = b.reshape(1, D)

    def body(p0_ref, p1_ref, w_ref, wd_ref, b_ref, o_ref):
        s = p0_ref[...] + p1_ref[...]
        num = jnp.dot(s, w_ref[...], preferred_element_type=jnp.float32)
        den = jnp.dot(s, wd_ref[...], preferred_element_type=jnp.float32)
        o_ref[...] = num / jnp.maximum(den, 1.0) + b_ref[...]

    blk = 1024
    grid = R_PAD // blk
    out = pl.pallas_call(
        body,
        grid=(grid,),
        in_specs=[
            pl.BlockSpec((blk, D_PAD), lambda i: (i, 0)),
            pl.BlockSpec((blk, D_PAD), lambda i, g=grid: (i + g, 0)),
            pl.BlockSpec((D_PAD, D), lambda i: (0, 0)),
            pl.BlockSpec((D_PAD, D), lambda i: (0, 0)),
            pl.BlockSpec((1, D), lambda i: (0, 0)),
        ],
        out_specs=pl.BlockSpec((blk, D), lambda i: (i, 0)),
        out_shape=jax.ShapeDtypeStruct((R_PAD, D), jnp.float32),
    )(parts, parts, w_pad, w_deg, b2)
    return out[:N]


def kernel(x, edge_index, W, b):
    ones = jnp.ones((N, 1), jnp.float32)
    zc = jnp.zeros((N, D_PAD - D - 1), jnp.float32)
    x_aug = jnp.concatenate([x, ones, zc], axis=1)
    x_aug = jnp.concatenate(
        [x_aug, jnp.zeros((R_PAD - N, D_PAD), jnp.float32)], axis=0)
    npad = E_PAD - E
    pad_idx = N + (jnp.arange(npad, dtype=jnp.int32) % (R_PAD - N))
    src = jnp.concatenate([edge_index[0], pad_idx])
    dst = jnp.concatenate([edge_index[1], pad_idx])
    src3 = src.reshape(NW, CPT, CHUNK)
    dst3 = dst.reshape(NW, CPT, CHUNK)
    zrows = jnp.zeros((CHUNK, D_PAD), jnp.float32)
    parts = _sc_aggregate(x_aug, src3, dst3, zrows)
    return _tc_finish(parts, W, b)

# --- scband reference (transcript-rebuilt; emitter-appended) ---
"""Pipeline reference for scband-aggregator-33406255628665 (READ-ONLY COPY).

The authoritative reference and input builder live on the scoring server;
editing this copy changes nothing except your own understanding.
"""

import jax, jax.numpy as jnp
import numpy as np

N_NODES = 10000
N_EDGES = 320000
D_IN = 128
D_OUT = 128


def setup_inputs(seed: int = 0) -> dict:
    key = jax.random.key(seed)
    k1, k2, k3, k4 = jax.random.split(key, 4)
    x = jax.random.normal(k1, (N_NODES, D_IN), dtype=jnp.float32)
    edge_index = jax.random.randint(k2, (2, N_EDGES), 0, N_NODES, dtype=jnp.int32)
    # learned params of the Aggregator's linear projection (out = Linear(mean_agg))
    W = jax.random.normal(k3, (D_IN, D_OUT), dtype=jnp.float32) * (1.0 / np.sqrt(D_IN))
    b = jax.random.normal(k4, (D_OUT,), dtype=jnp.float32) * 0.01
    return {"x": x, "edge_index": edge_index, "W": W, "b": b}


def reference(x, edge_index, W, b):
    # GNN neighborhood aggregator: gather source-node features along edges,
    # mean-reduce into destination nodes (scatter-add + degree normalization),
    # then apply the learned linear transform.
    src = edge_index[0]
    dst = edge_index[1]
    n = x.shape[0]
    msgs = jnp.take(x, src, axis=0)                              # gather  [E, D_IN]
    agg = jax.ops.segment_sum(msgs, dst, num_segments=n)         # scatter-add [N, D_IN]
    deg = jax.ops.segment_sum(jnp.ones((msgs.shape[0],), x.dtype), dst, num_segments=n)
    agg = agg / jnp.clip(deg, 1.0, None)[:, None]                # mean aggregation
    out = agg @ W + b                                            # [N, D_OUT]
    return out

if __name__ == "__main__":
    import jax
    _d = setup_inputs()
    print(jax.jit(kernel)(*tuple(_d.values())))

</pallas_src>

<mosaic_0001>
#map = affine_map<(d0, d1) -> (0, 0)>
#map1 = affine_map<(d0, d1) -> (0, 0, 0)>
module attributes {stable_mosaic.version = 14 : i64} {
  func.func @body(%arg0: i32, %arg1: i32, %arg2: memref<10240x144xf32, #tpu.memory_space<hbm>>, %arg3: memref<32x80x128xi32, #tpu.memory_space<hbm>>, %arg4: memref<32x80x128xi32, #tpu.memory_space<hbm>>, %arg5: memref<128x144xf32, #tpu.memory_space<hbm>>, %arg6: memref<20480x144xf32, #tpu.memory_space<hbm>>, %arg7: memref<80x128xi32, #tpu.memory_space<vmem>>, %arg8: memref<80x128xi32, #tpu.memory_space<vmem>>, %arg9: memref<128x144xf32, #tpu.memory_space<vmem>>, %arg10: memref<10240x144xf32, #tpu.memory_space<vmem_shared>>, %arg11: memref<!tpu.dma_semaphore, #tpu.memory_space<semaphore_mem>>) attributes {dimension_semantics = [#tpu.dimension_semantics<core_parallel>, #tpu.dimension_semantics<subcore_parallel>], iteration_bounds = array<i64: 2, 16>, scalar_prefetch = 0 : i64, scratch_operands = 5 : i64, tpu.core_type = #tpu.core_type<sc_vector_subcore>, window_params = [{transform_indices = #map}, {transform_indices = #map1}, {transform_indices = #map1}, {transform_indices = #map}, {transform_indices = #map}]} {
    %mul3A = arith.constant 16 : i32
    %mul3A_0 = arith.muli %arg0, %mul3A : i32
    %add3A = arith.addi %mul3A_0, %arg1 : i32
    "tpu.region"() ({
      %run_scoped3A = tpu.sem_alloc : memref<!tpu.dma_semaphore, #tpu.memory_space<semaphore_mem>>
      %dma_start3A = arith.constant 0 : i32
      %dma_start3A_62 = arith.constant 0 : i32
      %dma_start3A_63 = tpu.memref_slice %arg3[%add3A, %dma_start3A, %dma_start3A_62] : memref<32x80x128xi32, #tpu.memory_space<hbm>> -> memref<1x80x128xi32, #tpu.memory_space<hbm>>
      %dma_start3A_64 = tpu.memref_squeeze %dma_start3A_63 : memref<1x80x128xi32, #tpu.memory_space<hbm>> -> memref<80x128xi32, #tpu.memory_space<hbm>>
      %dma_start3A_65 = arith.constant 0 : i32
      %dma_start3A_66 = arith.constant 0 : i32
      %dma_start3A_67 = tpu.memref_slice %arg3[%add3A, %dma_start3A_65, %dma_start3A_66] : memref<32x80x128xi32, #tpu.memory_space<hbm>> -> memref<1x80x128xi32, #tpu.memory_space<hbm>>
      %dma_start3A_68 = tpu.memref_squeeze %dma_start3A_67 : memref<1x80x128xi32, #tpu.memory_space<hbm>> -> memref<80x128xi32, #tpu.memory_space<hbm>>
      tpu.enqueue_dma source(%dma_start3A_68 : memref<80x128xi32, #tpu.memory_space<hbm>>) target(%arg7 : memref<80x128xi32, #tpu.memory_space<vmem>>) target_semaphore(%run_scoped3A : memref<!tpu.dma_semaphore, #tpu.memory_space<semaphore_mem>>)
      %dma_wait3A = arith.constant 0 : i32
      %dma_wait3A_69 = arith.constant 0 : i32
      %dma_wait3A_70 = tpu.memref_slice %arg3[%add3A, %dma_wait3A, %dma_wait3A_69] : memref<32x80x128xi32, #tpu.memory_space<hbm>> -> memref<1x80x128xi32, #tpu.memory_space<hbm>>
      %dma_wait3A_71 = tpu.memref_squeeze %dma_wait3A_70 : memref<1x80x128xi32, #tpu.memory_space<hbm>> -> memref<80x128xi32, #tpu.memory_space<hbm>>
      %dma_wait3A_72 = arith.constant 0 : i32
      %dma_wait3A_73 = arith.constant 0 : i32
      %dma_wait3A_74 = tpu.memref_slice %arg3[%add3A, %dma_wait3A_72, %dma_wait3A_73] : memref<32x80x128xi32, #tpu.memory_space<hbm>> -> memref<1x80x128xi32, #tpu.memory_space<hbm>>
      %dma_wait3A_75 = tpu.memref_squeeze %dma_wait3A_74 : memref<1x80x128xi32, #tpu.memory_space<hbm>> -> memref<80x128xi32, #tpu.memory_space<hbm>>
      tpu.wait_dma2 semaphore(%run_scoped3A : memref<!tpu.dma_semaphore, #tpu.memory_space<semaphore_mem>>) src(%dma_wait3A_75 : memref<80x128xi32, #tpu.memory_space<hbm>>) dst(%arg7 : memref<80x128xi32, #tpu.memory_space<vmem>>)
      tpu.yield
    }) : () -> ()
    "tpu.region"() ({
      %run_scoped3A = tpu.sem_alloc : memref<!tpu.dma_semaphore, #tpu.memory_space<semaphore_mem>>
      %dma_start3A = arith.constant 0 : i32
      %dma_start3A_62 = arith.constant 0 : i32
      %dma_start3A_63 = tpu.memref_slice %arg4[%add3A, %dma_start3A, %dma_start3A_62] : memref<32x80x128xi32, #tpu.memory_space<hbm>> -> memref<1x80x128xi32, #tpu.memory_space<hbm>>
      %dma_start3A_64 = tpu.memref_squeeze %dma_start3A_63 : memref<1x80x128xi32, #tpu.memory_space<hbm>> -> memref<80x128xi32, #tpu.memory_space<hbm>>
      %dma_start3A_65 = arith.constant 0 : i32
      %dma_start3A_66 = arith.constant 0 : i32
      %dma_start3A_67 = tpu.memref_slice %arg4[%add3A, %dma_start3A_65, %dma_start3A_66] : memref<32x80x128xi32, #tpu.memory_space<hbm>> -> memref<1x80x128xi32, #tpu.memory_space<hbm>>
      %dma_start3A_68 = tpu.memref_squeeze %dma_start3A_67 : memref<1x80x128xi32, #tpu.memory_space<hbm>> -> memref<80x128xi32, #tpu.memory_space<hbm>>
      tpu.enqueue_dma source(%dma_start3A_68 : memref<80x128xi32, #tpu.memory_space<hbm>>) target(%arg8 : memref<80x128xi32, #tpu.memory_space<vmem>>) target_semaphore(%run_scoped3A : memref<!tpu.dma_semaphore, #tpu.memory_space<semaphore_mem>>)
      %dma_wait3A = arith.constant 0 : i32
      %dma_wait3A_69 = arith.constant 0 : i32
      %dma_wait3A_70 = tpu.memref_slice %arg4[%add3A, %dma_wait3A, %dma_wait3A_69] : memref<32x80x128xi32, #tpu.memory_space<hbm>> -> memref<1x80x128xi32, #tpu.memory_space<hbm>>
      %dma_wait3A_71 = tpu.memref_squeeze %dma_wait3A_70 : memref<1x80x128xi32, #tpu.memory_space<hbm>> -> memref<80x128xi32, #tpu.memory_space<hbm>>
      %dma_wait3A_72 = arith.constant 0 : i32
      %dma_wait3A_73 = arith.constant 0 : i32
      %dma_wait3A_74 = tpu.memref_slice %arg4[%add3A, %dma_wait3A_72, %dma_wait3A_73] : memref<32x80x128xi32, #tpu.memory_space<hbm>> -> memref<1x80x128xi32, #tpu.memory_space<hbm>>
      %dma_wait3A_75 = tpu.memref_squeeze %dma_wait3A_74 : memref<1x80x128xi32, #tpu.memory_space<hbm>> -> memref<80x128xi32, #tpu.memory_space<hbm>>
      tpu.wait_dma2 semaphore(%run_scoped3A : memref<!tpu.dma_semaphore, #tpu.memory_space<semaphore_mem>>) src(%dma_wait3A_75 : memref<80x128xi32, #tpu.memory_space<hbm>>) dst(%arg8 : memref<80x128xi32, #tpu.memory_space<vmem>>)
      tpu.yield
    }) : () -> ()
    "tpu.region"() ({
      %run_scoped3A = tpu.sem_alloc : memref<!tpu.dma_semaphore, #tpu.memory_space<semaphore_mem>>
      tpu.enqueue_dma source(%arg5 : memref<128x144xf32, #tpu.memory_space<hbm>>) target(%arg9 : memref<128x144xf32, #tpu.memory_space<vmem>>) target_semaphore(%run_scoped3A : memref<!tpu.dma_semaphore, #tpu.memory_space<semaphore_mem>>)
      tpu.wait_dma2 semaphore(%run_scoped3A : memref<!tpu.dma_semaphore, #tpu.memory_space<semaphore_mem>>) src(%arg5 : memref<128x144xf32, #tpu.memory_space<hbm>>) dst(%arg9 : memref<128x144xf32, #tpu.memory_space<vmem>>)
      tpu.yield
    }) : () -> ()
    %mul3A_1 = arith.constant 640 : i32
    %mul3A_2 = arith.muli %arg1, %mul3A_1 : i32
    %add3A_3 = arith.constant 0 : i32
    %add3A_4 = arith.addi %mul3A_2, %add3A_3 : i32
    "tpu.region"() ({
      %run_scoped3A = tpu.sem_alloc : memref<!tpu.dma_semaphore, #tpu.memory_space<semaphore_mem>>
      %dma_start3A = arith.constant 0 : i32
      %dma_start3A_62 = tpu.memref_slice %arg10[%add3A_4, %dma_start3A] : memref<10240x144xf32, #tpu.memory_space<vmem_shared>> -> memref<128x144xf32, #tpu.memory_space<vmem_shared>>
      %dma_start3A_63 = arith.constant 0 : i32
      %dma_start3A_64 = tpu.memref_slice %arg10[%add3A_4, %dma_start3A_63] : memref<10240x144xf32, #tpu.memory_space<vmem_shared>> -> memref<128x144xf32, #tpu.memory_space<vmem_shared>>
      tpu.enqueue_dma source(%arg9 : memref<128x144xf32, #tpu.memory_space<vmem>>) target(%dma_start3A_64 : memref<128x144xf32, #tpu.memory_space<vmem_shared>>) target_semaphore(%run_scoped3A : memref<!tpu.dma_semaphore, #tpu.memory_space<semaphore_mem>>)
      %dma_wait3A = arith.constant 0 : i32
      %dma_wait3A_65 = tpu.memref_slice %arg10[%add3A_4, %dma_wait3A] : memref<10240x144xf32, #tpu.memory_space<vmem_shared>> -> memref<128x144xf32, #tpu.memory_space<vmem_shared>>
      %dma_wait3A_66 = arith.constant 0 : i32
      %dma_wait3A_67 = tpu.memref_slice %arg10[%add3A_4, %dma_wait3A_66] : memref<10240x144xf32, #tpu.memory_space<vmem_shared>> -> memref<128x144xf32, #tpu.memory_space<vmem_shared>>
      tpu.wait_dma2 semaphore(%run_scoped3A : memref<!tpu.dma_semaphore, #tpu.memory_space<semaphore_mem>>) src(%arg9 : memref<128x144xf32, #tpu.memory_space<vmem>>) dst(%dma_wait3A_67 : memref<128x144xf32, #tpu.memory_space<vmem_shared>>)
      tpu.yield
    }) : () -> ()
    %mul3A_5 = arith.constant 640 : i32
    %mul3A_6 = arith.muli %arg1, %mul3A_5 : i32
    %add3A_7 = arith.constant 128 : i32
    %add3A_8 = arith.addi %mul3A_6, %add3A_7 : i32
    "tpu.region"() ({
      %run_scoped3A = tpu.sem_alloc : memref<!tpu.dma_semaphore, #tpu.memory_space<semaphore_mem>>
      %dma_start3A = arith.constant 0 : i32
      %dma_start3A_62 = tpu.memref_slice %arg10[%add3A_8, %dma_start3A] : memref<10240x144xf32, #tpu.memory_space<vmem_shared>> -> memref<128x144xf32, #tpu.memory_space<vmem_shared>>
      %dma_start3A_63 = arith.constant 0 : i32
      %dma_start3A_64 = tpu.memref_slice %arg10[%add3A_8, %dma_start3A_63] : memref<10240x144xf32, #tpu.memory_space<vmem_shared>> -> memref<128x144xf32, #tpu.memory_space<vmem_shared>>
      tpu.enqueue_dma source(%arg9 : memref<128x144xf32, #tpu.memory_space<vmem>>) target(%dma_start3A_64 : memref<128x144xf32, #tpu.memory_space<vmem_shared>>) target_semaphore(%run_scoped3A : memref<!tpu.dma_semaphore, #tpu.memory_space<semaphore_mem>>)
      %dma_wait3A = arith.constant 0 : i32
      %dma_wait3A_65 = tpu.memref_slice %arg10[%add3A_8, %dma_wait3A] : memref<10240x144xf32, #tpu.memory_space<vmem_shared>> -> memref<128x144xf32, #tpu.memory_space<vmem_shared>>
      %dma_wait3A_66 = arith.constant 0 : i32
      %dma_wait3A_67 = tpu.memref_slice %arg10[%add3A_8, %dma_wait3A_66] : memref<10240x144xf32, #tpu.memory_space<vmem_shared>> -> memref<128x144xf32, #tpu.memory_space<vmem_shared>>
      tpu.wait_dma2 semaphore(%run_scoped3A : memref<!tpu.dma_semaphore, #tpu.memory_space<semaphore_mem>>) src(%arg9 : memref<128x144xf32, #tpu.memory_space<vmem>>) dst(%dma_wait3A_67 : memref<128x144xf32, #tpu.memory_space<vmem_shared>>)
      tpu.yield
    }) : () -> ()
    %mul3A_9 = arith.constant 640 : i32
    %mul3A_10 = arith.muli %arg1, %mul3A_9 : i32
    %add3A_11 = arith.constant 256 : i32
    %add3A_12 = arith.addi %mul3A_10, %add3A_11 : i32
    "tpu.region"() ({
      %run_scoped3A = tpu.sem_alloc : memref<!tpu.dma_semaphore, #tpu.memory_space<semaphore_mem>>
      %dma_start3A = arith.constant 0 : i32
      %dma_start3A_62 = tpu.memref_slice %arg10[%add3A_12, %dma_start3A] : memref<10240x144xf32, #tpu.memory_space<vmem_shared>> -> memref<128x144xf32, #tpu.memory_space<vmem_shared>>
      %dma_start3A_63 = arith.constant 0 : i32
      %dma_start3A_64 = tpu.memref_slice %arg10[%add3A_12, %dma_start3A_63] : memref<10240x144xf32, #tpu.memory_space<vmem_shared>> -> memref<128x144xf32, #tpu.memory_space<vmem_shared>>
      tpu.enqueue_dma source(%arg9 : memref<128x144xf32, #tpu.memory_space<vmem>>) target(%dma_start3A_64 : memref<128x144xf32, #tpu.memory_space<vmem_shared>>) target_semaphore(%run_scoped3A : memref<!tpu.dma_semaphore, #tpu.memory_space<semaphore_mem>>)
      %dma_wait3A = arith.constant 0 : i32
      %dma_wait3A_65 = tpu.memref_slice %arg10[%add3A_12, %dma_wait3A] : memref<10240x144xf32, #tpu.memory_space<vmem_shared>> -> memref<128x144xf32, #tpu.memory_space<vmem_shared>>
      %dma_wait3A_66 = arith.constant 0 : i32
      %dma_wait3A_67 = tpu.memref_slice %arg10[%add3A_12, %dma_wait3A_66] : memref<10240x144xf32, #tpu.memory_space<vmem_shared>> -> memref<128x144xf32, #tpu.memory_space<vmem_shared>>
      tpu.wait_dma2 semaphore(%run_scoped3A : memref<!tpu.dma_semaphore, #tpu.memory_space<semaphore_mem>>) src(%arg9 : memref<128x144xf32, #tpu.memory_space<vmem>>) dst(%dma_wait3A_67 : memref<128x144xf32, #tpu.memory_space<vmem_shared>>)
      tpu.yield
    }) : () -> ()
    %mul3A_13 = arith.constant 640 : i32
    %mul3A_14 = arith.muli %arg1, %mul3A_13 : i32
    %add3A_15 = arith.constant 384 : i32
    %add3A_16 = arith.addi %mul3A_14, %add3A_15 : i32
    "tpu.region"() ({
      %run_scoped3A = tpu.sem_alloc : memref<!tpu.dma_semaphore, #tpu.memory_space<semaphore_mem>>
      %dma_start3A = arith.constant 0 : i32
      %dma_start3A_62 = tpu.memref_slice %arg10[%add3A_16, %dma_start3A] : memref<10240x144xf32, #tpu.memory_space<vmem_shared>> -> memref<128x144xf32, #tpu.memory_space<vmem_shared>>
      %dma_start3A_63 = arith.constant 0 : i32
      %dma_start3A_64 = tpu.memref_slice %arg10[%add3A_16, %dma_start3A_63] : memref<10240x144xf32, #tpu.memory_space<vmem_shared>> -> memref<128x144xf32, #tpu.memory_space<vmem_shared>>
      tpu.enqueue_dma source(%arg9 : memref<128x144xf32, #tpu.memory_space<vmem>>) target(%dma_start3A_64 : memref<128x144xf32, #tpu.memory_space<vmem_shared>>) target_semaphore(%run_scoped3A : memref<!tpu.dma_semaphore, #tpu.memory_space<semaphore_mem>>)
      %dma_wait3A = arith.constant 0 : i32
      %dma_wait3A_65 = tpu.memref_slice %arg10[%add3A_16, %dma_wait3A] : memref<10240x144xf32, #tpu.memory_space<vmem_shared>> -> memref<128x144xf32, #tpu.memory_space<vmem_shared>>
      %dma_wait3A_66 = arith.constant 0 : i32
      %dma_wait3A_67 = tpu.memref_slice %arg10[%add3A_16, %dma_wait3A_66] : memref<10240x144xf32, #tpu.memory_space<vmem_shared>> -> memref<128x144xf32, #tpu.memory_space<vmem_shared>>
      tpu.wait_dma2 semaphore(%run_scoped3A : memref<!tpu.dma_semaphore, #tpu.memory_space<semaphore_mem>>) src(%arg9 : memref<128x144xf32, #tpu.memory_space<vmem>>) dst(%dma_wait3A_67 : memref<128x144xf32, #tpu.memory_space<vmem_shared>>)
      tpu.yield
    }) : () -> ()
    %mul3A_17 = arith.constant 640 : i32
    %mul3A_18 = arith.muli %arg1, %mul3A_17 : i32
    %add3A_19 = arith.constant 512 : i32
    %add3A_20 = arith.addi %mul3A_18, %add3A_19 : i32
    "tpu.region"() ({
      %run_scoped3A = tpu.sem_alloc : memref<!tpu.dma_semaphore, #tpu.memory_space<semaphore_mem>>
      %dma_start3A = arith.constant 0 : i32
      %dma_start3A_62 = tpu.memref_slice %arg10[%add3A_20, %dma_start3A] : memref<10240x144xf32, #tpu.memory_space<vmem_shared>> -> memref<128x144xf32, #tpu.memory_space<vmem_shared>>
      %dma_start3A_63 = arith.constant 0 : i32
      %dma_start3A_64 = tpu.memref_slice %arg10[%add3A_20, %dma_start3A_63] : memref<10240x144xf32, #tpu.memory_space<vmem_shared>> -> memref<128x144xf32, #tpu.memory_space<vmem_shared>>
      tpu.enqueue_dma source(%arg9 : memref<128x144xf32, #tpu.memory_space<vmem>>) target(%dma_start3A_64 : memref<128x144xf32, #tpu.memory_space<vmem_shared>>) target_semaphore(%run_scoped3A : memref<!tpu.dma_semaphore, #tpu.memory_space<semaphore_mem>>)
      %dma_wait3A = arith.constant 0 : i32
      %dma_wait3A_65 = tpu.memref_slice %arg10[%add3A_20, %dma_wait3A] : memref<10240x144xf32, #tpu.memory_space<vmem_shared>> -> memref<128x144xf32, #tpu.memory_space<vmem_shared>>
      %dma_wait3A_66 = arith.constant 0 : i32
      %dma_wait3A_67 = tpu.memref_slice %arg10[%add3A_20, %dma_wait3A_66] : memref<10240x144xf32, #tpu.memory_space<vmem_shared>> -> memref<128x144xf32, #tpu.memory_space<vmem_shared>>
      tpu.wait_dma2 semaphore(%run_scoped3A : memref<!tpu.dma_semaphore, #tpu.memory_space<semaphore_mem>>) src(%arg9 : memref<128x144xf32, #tpu.memory_space<vmem>>) dst(%dma_wait3A_67 : memref<128x144xf32, #tpu.memory_space<vmem_shared>>)
      tpu.yield
    }) : () -> ()
    %barrier3A = arith.constant 0 : index
    tpu.barrier barrier_id(%barrier3A)
    %scan3A = arith.constant 0 : i32
    %scan3A_21 = arith.constant 0 : i32
    %scan3A_22 = arith.constant 80 : i32
    %scan3A_23 = arith.addi %scan3A_21, %scan3A_22 : i32
    %scan3A_24 = arith.constant 1 : i32
    scf.for %scan3A_62 = %scan3A_21 to %scan3A_23 step %scan3A_24  : i32 {
      %dma_start3A = arith.constant 0 : i32
      %dma_start3A_63 = tpu.memref_slice %arg7[%scan3A_62, %dma_start3A] : memref<80x128xi32, #tpu.memory_space<vmem>> -> memref<1x128xi32, #tpu.memory_space<vmem>>
      %dma_start3A_64 = tpu.memref_squeeze %dma_start3A_63 : memref<1x128xi32, #tpu.memory_space<vmem>> -> memref<128xi32, #tpu.memory_space<vmem>>
      %dma_start3A_65 = arith.constant 0 : i32
      %dma_start3A_66 = arith.constant 0 : i32
      %dma_start3A_67 = tpu.memref_slice %arg2[%dma_start3A_65, %dma_start3A_66] : memref<10240x144xf32, #tpu.memory_space<hbm>> -> memref<10240x144xf32, #tpu.memory_space<hbm>>
      tpu.enqueue_indirect_dma source(%dma_start3A_67 : memref<10240x144xf32, #tpu.memory_space<hbm>>) target(%arg9 : memref<128x144xf32, #tpu.memory_space<vmem>>) offsets(%dma_start3A_64 : memref<128xi32, #tpu.memory_space<vmem>>) semaphore(%arg11 : memref<!tpu.dma_semaphore, #tpu.memory_space<semaphore_mem>>)
      %dma_wait3A = arith.constant 0 : i32
      %dma_wait3A_68 = tpu.memref_slice %arg7[%scan3A_62, %dma_wait3A] : memref<80x128xi32, #tpu.memory_space<vmem>> -> memref<1x128xi32, #tpu.memory_space<vmem>>
      %dma_wait3A_69 = tpu.memref_squeeze %dma_wait3A_68 : memref<1x128xi32, #tpu.memory_space<vmem>> -> memref<128xi32, #tpu.memory_space<vmem>>
      %dma_wait3A_70 = arith.constant 0 : i32
      %dma_wait3A_71 = arith.constant 0 : i32
      %dma_wait3A_72 = tpu.memref_slice %arg2[%dma_wait3A_70, %dma_wait3A_71] : memref<10240x144xf32, #tpu.memory_space<hbm>> -> memref<10240x144xf32, #tpu.memory_space<hbm>>
      tpu.wait_indirect_dma semaphore(%arg11 : memref<!tpu.dma_semaphore, #tpu.memory_space<semaphore_mem>>) src(%dma_wait3A_72 : memref<10240x144xf32, #tpu.memory_space<hbm>>) dst(%arg9 : memref<128x144xf32, #tpu.memory_space<vmem>>)
      "tpu.region"() ({
        %run_scoped3A = tpu.sem_alloc : memref<!tpu.dma_semaphore, #tpu.memory_space<semaphore_mem>>
        %dma_start3A_73 = arith.constant 0 : i32
        %dma_start3A_74 = tpu.memref_slice %arg8[%scan3A_62, %dma_start3A_73] : memref<80x128xi32, #tpu.memory_space<vmem>> -> memref<1x128xi32, #tpu.memory_space<vmem>>
        %dma_start3A_75 = tpu.memref_squeeze %dma_start3A_74 : memref<1x128xi32, #tpu.memory_space<vmem>> -> memref<128xi32, #tpu.memory_space<vmem>>
        %dma_start3A_76 = arith.constant 0 : i32
        %dma_start3A_77 = arith.constant 0 : i32
        %dma_start3A_78 = tpu.memref_slice %arg10[%dma_start3A_76, %dma_start3A_77] : memref<10240x144xf32, #tpu.memory_space<vmem_shared>> -> memref<10240x144xf32, #tpu.memory_space<vmem_shared>>
        tpu.enqueue_indirect_dma source(%arg9 : memref<128x144xf32, #tpu.memory_space<vmem>>) target(%dma_start3A_78 : memref<10240x144xf32, #tpu.memory_space<vmem_shared>>) offsets(%dma_start3A_75 : memref<128xi32, #tpu.memory_space<vmem>>) semaphore(%run_scoped3A : memref<!tpu.dma_semaphore, #tpu.memory_space<semaphore_mem>>) {add = true}
        %dma_wait3A_79 = arith.constant 0 : i32
        %dma_wait3A_80 = tpu.memref_slice %arg8[%scan3A_62, %dma_wait3A_79] : memref<80x128xi32, #tpu.memory_space<vmem>> -> memref<1x128xi32, #tpu.memory_space<vmem>>
        %dma_wait3A_81 = tpu.memref_squeeze %dma_wait3A_80 : memref<1x128xi32, #tpu.memory_space<vmem>> -> memref<128xi32, #tpu.memory_space<vmem>>
        %dma_wait3A_82 = arith.constant 0 : i32
        %dma_wait3A_83 = arith.constant 0 : i32
        %dma_wait3A_84 = tpu.memref_slice %arg10[%dma_wait3A_82, %dma_wait3A_83] : memref<10240x144xf32, #tpu.memory_space<vmem_shared>> -> memref<10240x144xf32, #tpu.memory_space<vmem_shared>>
        tpu.wait_indirect_dma semaphore(%run_scoped3A : memref<!tpu.dma_semaphore, #tpu.memory_space<semaphore_mem>>) src(%arg9 : memref<128x144xf32, #tpu.memory_space<vmem>>) dst(%dma_wait3A_84 : memref<10240x144xf32, #tpu.memory_space<vmem_shared>>)
        tpu.yield
      }) : () -> ()
    }
    %scan3A_25 = arith.constant 80 : i32
    %barrier3A_26 = arith.constant 0 : index
    tpu.barrier barrier_id(%barrier3A_26)
    %mul3A_27 = arith.constant 640 : i32
    %mul3A_28 = arith.muli %arg1, %mul3A_27 : i32
    %add3A_29 = arith.constant 0 : i32
    %add3A_30 = arith.addi %mul3A_28, %add3A_29 : i32
    %mul3A_31 = arith.constant 10240 : i32
    %mul3A_32 = arith.muli %arg0, %mul3A_31 : i32
    %add3A_33 = arith.addi %mul3A_32, %add3A_30 : i32
    "tpu.region"() ({
      %run_scoped3A = tpu.sem_alloc : memref<!tpu.dma_semaphore, #tpu.memory_space<semaphore_mem>>
      %dma_start3A = arith.constant 0 : i32
      %dma_start3A_62 = tpu.memref_slice %arg6[%add3A_33, %dma_start3A] : memref<20480x144xf32, #tpu.memory_space<hbm>> -> memref<128x144xf32, #tpu.memory_space<hbm>>
      %dma_start3A_63 = arith.constant 0 : i32
      %dma_start3A_64 = tpu.memref_slice %arg10[%add3A_30, %dma_start3A_63] : memref<10240x144xf32, #tpu.memory_space<vmem_shared>> -> memref<128x144xf32, #tpu.memory_space<vmem_shared>>
      tpu.enqueue_dma source(%dma_start3A_64 : memref<128x144xf32, #tpu.memory_space<vmem_shared>>) target(%dma_start3A_62 : memref<128x144xf32, #tpu.memory_space<hbm>>) target_semaphore(%run_scoped3A : memref<!tpu.dma_semaphore, #tpu.memory_space<semaphore_mem>>)
      %dma_wait3A = arith.constant 0 : i32
      %dma_wait3A_65 = tpu.memref_slice %arg6[%add3A_33, %dma_wait3A] : memref<20480x144xf32, #tpu.memory_space<hbm>> -> memref<128x144xf32, #tpu.memory_space<hbm>>
      %dma_wait3A_66 = arith.constant 0 : i32
      %dma_wait3A_67 = tpu.memref_slice %arg10[%add3A_30, %dma_wait3A_66] : memref<10240x144xf32, #tpu.memory_space<vmem_shared>> -> memref<128x144xf32, #tpu.memory_space<vmem_shared>>
      tpu.wait_dma2 semaphore(%run_scoped3A : memref<!tpu.dma_semaphore, #tpu.memory_space<semaphore_mem>>) src(%dma_wait3A_67 : memref<128x144xf32, #tpu.memory_space<vmem_shared>>) dst(%dma_wait3A_65 : memref<128x144xf32, #tpu.memory_space<hbm>>)
      tpu.yield
    }) : () -> ()
    %mul3A_34 = arith.constant 640 : i32
    %mul3A_35 = arith.muli %arg1, %mul3A_34 : i32
    %add3A_36 = arith.constant 128 : i32
    %add3A_37 = arith.addi %mul3A_35, %add3A_36 : i32
    %mul3A_38 = arith.constant 10240 : i32
    %mul3A_39 = arith.muli %arg0, %mul3A_38 : i32
    %add3A_40 = arith.addi %mul3A_39, %add3A_37 : i32
    "tpu.region"() ({
      %run_scoped3A = tpu.sem_alloc : memref<!tpu.dma_semaphore, #tpu.memory_space<semaphore_mem>>
      %dma_start3A = arith.constant 0 : i32
      %dma_start3A_62 = tpu.memref_slice %arg6[%add3A_40, %dma_start3A] : memref<20480x144xf32, #tpu.memory_space<hbm>> -> memref<128x144xf32, #tpu.memory_space<hbm>>
      %dma_start3A_63 = arith.constant 0 : i32
      %dma_start3A_64 = tpu.memref_slice %arg10[%add3A_37, %dma_start3A_63] : memref<10240x144xf32, #tpu.memory_space<vmem_shared>> -> memref<128x144xf32, #tpu.memory_space<vmem_shared>>
      tpu.enqueue_dma source(%dma_start3A_64 : memref<128x144xf32, #tpu.memory_space<vmem_shared>>) target(%dma_start3A_62 : memref<128x144xf32, #tpu.memory_space<hbm>>) target_semaphore(%run_scoped3A : memref<!tpu.dma_semaphore, #tpu.memory_space<semaphore_mem>>)
      %dma_wait3A = arith.constant 0 : i32
      %dma_wait3A_65 = tpu.memref_slice %arg6[%add3A_40, %dma_wait3A] : memref<20480x144xf32, #tpu.memory_space<hbm>> -> memref<128x144xf32, #tpu.memory_space<hbm>>
      %dma_wait3A_66 = arith.constant 0 : i32
      %dma_wait3A_67 = tpu.memref_slice %arg10[%add3A_37, %dma_wait3A_66] : memref<10240x144xf32, #tpu.memory_space<vmem_shared>> -> memref<128x144xf32, #tpu.memory_space<vmem_shared>>
      tpu.wait_dma2 semaphore(%run_scoped3A : memref<!tpu.dma_semaphore, #tpu.memory_space<semaphore_mem>>) src(%dma_wait3A_67 : memref<128x144xf32, #tpu.memory_space<vmem_shared>>) dst(%dma_wait3A_65 : memref<128x144xf32, #tpu.memory_space<hbm>>)
      tpu.yield
    }) : () -> ()
    %mul3A_41 = arith.constant 640 : i32
    %mul3A_42 = arith.muli %arg1, %mul3A_41 : i32
    %add3A_43 = arith.constant 256 : i32
    %add3A_44 = arith.addi %mul3A_42, %add3A_43 : i32
    %mul3A_45 = arith.constant 10240 : i32
    %mul3A_46 = arith.muli %arg0, %mul3A_45 : i32
    %add3A_47 = arith.addi %mul3A_46, %add3A_44 : i32
    "tpu.region"() ({
      %run_scoped3A = tpu.sem_alloc : memref<!tpu.dma_semaphore, #tpu.memory_space<semaphore_mem>>
      %dma_start3A = arith.constant 0 : i32
      %dma_start3A_62 = tpu.memref_slice %arg6[%add3A_47, %dma_start3A] : memref<20480x144xf32, #tpu.memory_space<hbm>> -> memref<128x144xf32, #tpu.memory_space<hbm>>
      %dma_start3A_63 = arith.constant 0 : i32
      %dma_start3A_64 = tpu.memref_slice %arg10[%add3A_44, %dma_start3A_63] : memref<10240x144xf32, #tpu.memory_space<vmem_shared>> -> memref<128x144xf32, #tpu.memory_space<vmem_shared>>
      tpu.enqueue_dma source(%dma_start3A_64 : memref<128x144xf32, #tpu.memory_space<vmem_shared>>) target(%dma_start3A_62 : memref<128x144xf32, #tpu.memory_space<hbm>>) target_semaphore(%run_scoped3A : memref<!tpu.dma_semaphore, #tpu.memory_space<semaphore_mem>>)
      %dma_wait3A = arith.constant 0 : i32
      %dma_wait3A_65 = tpu.memref_slice %arg6[%add3A_47, %dma_wait3A] : memref<20480x144xf32, #tpu.memory_space<hbm>> -> memref<128x144xf32, #tpu.memory_space<hbm>>
      %dma_wait3A_66 = arith.constant 0 : i32
      %dma_wait3A_67 = tpu.memref_slice %arg10[%add3A_44, %dma_wait3A_66] : memref<10240x144xf32, #tpu.memory_space<vmem_shared>> -> memref<128x144xf32, #tpu.memory_space<vmem_shared>>
      tpu.wait_dma2 semaphore(%run_scoped3A : memref<!tpu.dma_semaphore, #tpu.memory_space<semaphore_mem>>) src(%dma_wait3A_67 : memref<128x144xf32, #tpu.memory_space<vmem_shared>>) dst(%dma_wait3A_65 : memref<128x144xf32, #tpu.memory_space<hbm>>)
      tpu.yield
    }) : () -> ()
    %mul3A_48 = arith.constant 640 : i32
    %mul3A_49 = arith.muli %arg1, %mul3A_48 : i32
    %add3A_50 = arith.constant 384 : i32
    %add3A_51 = arith.addi %mul3A_49, %add3A_50 : i32
    %mul3A_52 = arith.constant 10240 : i32
    %mul3A_53 = arith.muli %arg0, %mul3A_52 : i32
    %add3A_54 = arith.addi %mul3A_53, %add3A_51 : i32
    "tpu.region"() ({
      %run_scoped3A = tpu.sem_alloc : memref<!tpu.dma_semaphore, #tpu.memory_space<semaphore_mem>>
      %dma_start3A = arith.constant 0 : i32
      %dma_start3A_62 = tpu.memref_slice %arg6[%add3A_54, %dma_start3A] : memref<20480x144xf32, #tpu.memory_space<hbm>> -> memref<128x144xf32, #tpu.memory_space<hbm>>
      %dma_start3A_63 = arith.constant 0 : i32
      %dma_start3A_64 = tpu.memref_slice %arg10[%add3A_51, %dma_start3A_63] : memref<10240x144xf32, #tpu.memory_space<vmem_shared>> -> memref<128x144xf32, #tpu.memory_space<vmem_shared>>
      tpu.enqueue_dma source(%dma_start3A_64 : memref<128x144xf32, #tpu.memory_space<vmem_shared>>) target(%dma_start3A_62 : memref<128x144xf32, #tpu.memory_space<hbm>>) target_semaphore(%run_scoped3A : memref<!tpu.dma_semaphore, #tpu.memory_space<semaphore_mem>>)
      %dma_wait3A = arith.constant 0 : i32
      %dma_wait3A_65 = tpu.memref_slice %arg6[%add3A_54, %dma_wait3A] : memref<20480x144xf32, #tpu.memory_space<hbm>> -> memref<128x144xf32, #tpu.memory_space<hbm>>
      %dma_wait3A_66 = arith.constant 0 : i32
      %dma_wait3A_67 = tpu.memref_slice %arg10[%add3A_51, %dma_wait3A_66] : memref<10240x144xf32, #tpu.memory_space<vmem_shared>> -> memref<128x144xf32, #tpu.memory_space<vmem_shared>>
      tpu.wait_dma2 semaphore(%run_scoped3A : memref<!tpu.dma_semaphore, #tpu.memory_space<semaphore_mem>>) src(%dma_wait3A_67 : memref<128x144xf32, #tpu.memory_space<vmem_shared>>) dst(%dma_wait3A_65 : memref<128x144xf32, #tpu.memory_space<hbm>>)
      tpu.yield
    }) : () -> ()
    %mul3A_55 = arith.constant 640 : i32
    %mul3A_56 = arith.muli %arg1, %mul3A_55 : i32
    %add3A_57 = arith.constant 512 : i32
    %add3A_58 = arith.addi %mul3A_56, %add3A_57 : i32
    %mul3A_59 = arith.constant 10240 : i32
    %mul3A_60 = arith.muli %arg0, %mul3A_59 : i32
    %add3A_61 = arith.addi %mul3A_60, %add3A_58 : i32
    "tpu.region"() ({
      %run_scoped3A = tpu.sem_alloc : memref<!tpu.dma_semaphore, #tpu.memory_space<semaphore_mem>>
      %dma_start3A = arith.constant 0 : i32
      %dma_start3A_62 = tpu.memref_slice %arg6[%add3A_61, %dma_start3A] : memref<20480x144xf32, #tpu.memory_space<hbm>> -> memref<128x144xf32, #tpu.memory_space<hbm>>
      %dma_start3A_63 = arith.constant 0 : i32
      %dma_start3A_64 = tpu.memref_slice %arg10[%add3A_58, %dma_start3A_63] : memref<10240x144xf32, #tpu.memory_space<vmem_shared>> -> memref<128x144xf32, #tpu.memory_space<vmem_shared>>
      tpu.enqueue_dma source(%dma_start3A_64 : memref<128x144xf32, #tpu.memory_space<vmem_shared>>) target(%dma_start3A_62 : memref<128x144xf32, #tpu.memory_space<hbm>>) target_semaphore(%run_scoped3A : memref<!tpu.dma_semaphore, #tpu.memory_space<semaphore_mem>>)
      %dma_wait3A = arith.constant 0 : i32
      %dma_wait3A_65 = tpu.memref_slice %arg6[%add3A_61, %dma_wait3A] : memref<20480x144xf32, #tpu.memory_space<hbm>> -> memref<128x144xf32, #tpu.memory_space<hbm>>
      %dma_wait3A_66 = arith.constant 0 : i32
      %dma_wait3A_67 = tpu.memref_slice %arg10[%add3A_58, %dma_wait3A_66] : memref<10240x144xf32, #tpu.memory_space<vmem_shared>> -> memref<128x144xf32, #tpu.memory_space<vmem_shared>>
      tpu.wait_dma2 semaphore(%run_scoped3A : memref<!tpu.dma_semaphore, #tpu.memory_space<semaphore_mem>>) src(%dma_wait3A_67 : memref<128x144xf32, #tpu.memory_space<vmem_shared>>) dst(%dma_wait3A_65 : memref<128x144xf32, #tpu.memory_space<hbm>>)
      tpu.yield
    }) : () -> ()
    return
  }
}

module attributes {stable_mosaic.version = 14 : i64} {
  func.func @body(%arg0: i32, %arg1: memref<1024x144xf32, #tpu.memory_space<vmem>>, %arg2: memref<1024x144xf32, #tpu.memory_space<vmem>>, %arg3: memref<144x128xf32, #tpu.memory_space<vmem>>, %arg4: memref<144x128xf32, #tpu.memory_space<vmem>>, %arg5: memref<1x128xf32, #tpu.memory_space<vmem>>, %arg6: memref<1024x128xf32, #tpu.memory_space<vmem>>) attributes {dimension_semantics = [#tpu.dimension_semantics<arbitrary>], iteration_bounds = array<i64: 10>, scalar_prefetch = 0 : i64, scratch_operands = 0 : i64, tpu.core_type = #tpu.core_type<tc>, window_params = [{transform_indices = @transform_0, window_bounds = array<i64: 1024, 144>}, {transform_indices = @transform_1, window_bounds = array<i64: 1024, 144>}, {pipeline_mode = #tpu.pipeline_mode<synchronous>, transform_indices = @transform_2, window_bounds = array<i64: 144, 128>}, {pipeline_mode = #tpu.pipeline_mode<synchronous>, transform_indices = @transform_3, window_bounds = array<i64: 144, 128>}, {pipeline_mode = #tpu.pipeline_mode<synchronous>, transform_indices = @transform_4, window_bounds = array<i64: 1, 128>}, {transform_indices = @transform_5, window_bounds = array<i64: 1024, 128>}]} {
    %get3A = arith.constant 0 : index
    %get3A_0 = arith.constant 0 : index
    %get3A_1 = vector.load %arg1[%get3A, %get3A_0] : memref<1024x144xf32, #tpu.memory_space<vmem>>, vector<1024x144xf32>
    %get3A_2 = arith.constant 0 : index
    %get3A_3 = arith.constant 0 : index
    %get3A_4 = vector.load %arg2[%get3A_2, %get3A_3] : memref<1024x144xf32, #tpu.memory_space<vmem>>, vector<1024x144xf32>
    %add3A = arith.addf %get3A_1, %get3A_4 : vector<1024x144xf32>
    %get3A_5 = arith.constant 0 : index
    %get3A_6 = arith.constant 0 : index
    %get3A_7 = vector.load %arg3[%get3A_5, %get3A_6] : memref<144x128xf32, #tpu.memory_space<vmem>>, vector<144x128xf32>
    %dot_general3A = arith.constant dense<0.000000e+00> : vector<1024x128xf32>
    %dot_general3A_8 = tpu.matmul %add3A, %get3A_7, %dot_general3A {dimension_numbers = #tpu.dot_dimension_numbers<[1], [0], [0], [1], [0, 0, 1, 1], [], []>, transpose_lhs_hint = false} : vector<1024x144xf32>, vector<144x128xf32>, vector<1024x128xf32> -> vector<1024x128xf32>
    %get3A_9 = arith.constant 0 : index
    %get3A_10 = arith.constant 0 : index
    %get3A_11 = vector.load %arg4[%get3A_9, %get3A_10] : memref<144x128xf32, #tpu.memory_space<vmem>>, vector<144x128xf32>
    %dot_general3A_12 = arith.constant dense<0.000000e+00> : vector<1024x128xf32>
    %dot_general3A_13 = tpu.matmul %add3A, %get3A_11, %dot_general3A_12 {dimension_numbers = #tpu.dot_dimension_numbers<[1], [0], [0], [1], [0, 0, 1, 1], [], []>, transpose_lhs_hint = false} : vector<1024x144xf32>, vector<144x128xf32>, vector<1024x128xf32> -> vector<1024x128xf32>
    %max3A = arith.constant 1.000000e+00 : f32
    %max3A_14 = vector.broadcast %max3A : f32 to vector<1024x128xf32>
    %max3A_15 = arith.maximumf %dot_general3A_13, %max3A_14 : vector<1024x128xf32>
    %div3A = arith.divf %dot_general3A_8, %max3A_15 : vector<1024x128xf32>
    %get3A_16 = arith.constant 0 : index
    %get3A_17 = arith.constant 0 : index
    %get3A_18 = vector.load %arg5[%get3A_16, %get3A_17] : memref<1x128xf32, #tpu.memory_space<vmem>>, vector<1x128xf32>
    %add3A_19 = vector.broadcast %get3A_18 : vector<1x128xf32> to vector<1024x128xf32>
    %add3A_20 = arith.addf %div3A, %add3A_19 : vector<1024x128xf32>
    %swap3A = arith.constant 0 : index
    %swap3A_21 = arith.constant 0 : index
    %swap3A_22 = vector.load %arg6[%swap3A, %swap3A_21] : memref<1024x128xf32, #tpu.memory_space<vmem>>, vector<1024x128xf32>
    tpu.vector_store %arg6[%swap3A, %swap3A_21], %add3A_20 {strides = array<i32>} : memref<1024x128xf32, #tpu.memory_space<vmem>>, vector<1024x128xf32>,
    return
  }
  func.func @transform_0(%arg0: i32) -> (i32, i32) {
    %c0_i32 = arith.constant 0 : i32
    %c0_i32_0 = arith.constant 0 : i32
    return %arg0, %c0_i32 : i32, i32
  }
  func.func @transform_1(%arg0: i32) -> (i32, i32) {
    %add3A = arith.constant 10 : i32
    %add3A_0 = arith.addi %arg0, %add3A : i32
    %c0_i32 = arith.constant 0 : i32
    %c0_i32_1 = arith.constant 0 : i32
    return %add3A_0, %c0_i32 : i32, i32
  }
  func.func @transform_2(%arg0: i32) -> (i32, i32) {
    %c0_i32 = arith.constant 0 : i32
    %c0_i32_0 = arith.constant 0 : i32
    %c0_i32_1 = arith.constant 0 : i32
    return %c0_i32, %c0_i32_0 : i32, i32
  }
  func.func @transform_3(%arg0: i32) -> (i32, i32) {
    %c0_i32 = arith.constant 0 : i32
    %c0_i32_0 = arith.constant 0 : i32
    %c0_i32_1 = arith.constant 0 : i32
    return %c0_i32, %c0_i32_0 : i32, i32
  }
  func.func @transform_4(%arg0: i32) -> (i32, i32) {
    %c0_i32 = arith.constant 0 : i32
    %c0_i32_0 = arith.constant 0 : i32
    %c0_i32_1 = arith.constant 0 : i32
    return %c0_i32, %c0_i32_0 : i32, i32
  }
  func.func @transform_5(%arg0: i32) -> (i32, i32) {
    %c0_i32 = arith.constant 0 : i32
    %c0_i32_0 = arith.constant 0 : i32
    return %arg0, %c0_i32 : i32, i32
  }
}

</mosaic_0001>

<sc_bundles>
// kernel: kernel.4.cloned.1.call-start
scs
__scs_entry_jumppad:
0x0: {  	(pc) =	sbr.rel $0x88, $3  }
0x1: {  	(tag) =	ssettag $0x0;
	lr =	simm.s32 $0x1  }
0x2: {  	[smem:$0x3F9D] =	sst lr;
	_ =	strace $0xD0000000  }
0x3: {  	_ = 	snop  }
0x4: {  	_ = 	snop  }
0x5: {  	_ = 	snop  }
0x6: {  	_ = 	snop  }
0x7: {  	_ = 	snop  }
__scs_overlays_trampoline_lowered:
0x8: {  	[smem:$0x3FAC] =	sst s0  }
0x9: {  	[smem:$0x3FAD] =	sst s1  }
0xa: {  	[smem:$0x3FAE] =	sst s2  }
0xb: {  	[smem:$0x3FAF] =	sst s3  }
0xc: {  	[smem:$0x3FB0] =	sst s4  }
0xd: {  	[smem:$0x3FB1] =	sst s5  }
0xe: {  	[smem:$0x3FB2] =	sst s6  }
0xf: {  	[smem:$0x3FB3] =	sst s7  }
0x10: {  	[smem:$0x3FB4] =	sst s8  }
0x11: {  	[smem:$0x3FB5] =	sst s9;
	s0 =	simm.s32 @!p0 $0x0  }
0x12: {  	s1 =	sld [smem:$0x3F9B];
	s0 =	simm.s32 @p0 $0x1  }
0x13: {  	[smem:$0x3FB6] =	sst s0;
	s0 =	simm.s32 @!p1 $0x0  }
0x14: {  	s2 =	sld [smem:$0x3F9A];
	s0 =	simm.s32 @p1 $0x1  }
0x15: {  	[smem:$0x3FB7] =	sst s0;
	s0 =	simm.s32 @!p2 $0x0  }
0x16: {  	s3 =	sld [smem:$0x3FDB];
	s0 =	simm.s32 @p2 $0x1  }
0x17: {  	s4 =	simm.s32 $0x1BF5;
	[smem:$0x3FB9] =	sst s0  }
0x18: {  	s0 =	sld [smem:$0x3F9C];
	_ =	swait.ge [sflag:s4], $0x0  }
0x19: {  	s7 =	sld [smem:$0x3F9D]  }
0x1a: {  	s8 =	sadd.s32 $0xFFFFE003, lr  }
0x1b: {  	s9 =	sadd.s32 $0xFFFFFEF7, lr;
	s5 =	simm.s32 $0xFFFFFFFF;
	p2 =	slt.u32 s8, $0xFFFFF086  }
0x1c: {  	p1 =	slt.u32 s9, $0xF7A;
	s5 =	simm.s32 @!p2 $0x0  }
0x1d: {  	s5 =	simm.s32 @p1 $0x1;
	p0 =	seq.s32 s7, s2  }
0x1e: {  	s7 =	smul.u32 @!p0 $0xF7A, s2;
	p2 =	seq.s32 @!p0 s5, $0x0  }
0x1f: {  	s9 =	smul.u32 $0xF7A, s1;
	s8 =	simm.s32 @!p0 $0x1BF5;
	p2 =	por !p2, p0  }
0x20: {  	[sflag:s8] =	ssyncset.s32 @!p0 $0xFFFFF086;
	s6 =	sadd.s32 @!p0 s3, s7;
	s7 =	simm.s32 @!p0 $0x108  }
0x21: {  	s3 =	sadd.s32 s3, s9;
	s6 =	sadd.s32 @!p0 $0x88, s6;
	s7 =	simm.s32 @p2 $0x1082  }
0x22: {  	[simem:s7], [sflag:s8] =	dma.local @!p0 [hbm:s6], $0xF7A  }
0x23: {  	s9 =	sor.u32 $0xD0000000, s2;
	s6 =	simm.s32 $0x108;
	_ =	swait.ge @!p0 [sflag:s8], $0x0  }
0x24: {  	s3 =	sadd.s32 $0x88, s3;
	s6 =	simm.s32 @!p1 $0x1082;
	[sflag:s4] =	ssyncset.s32 $0xFFFFF086  }
0x25: {  	[simem:s6], [sflag:s4] =	dma.local [hbm:s3], $0xF7A  }
0x26: {  	[smem:$0x3F9D] =	sst s1;
	(tag) =	ssettag s2;
	_ =	strace s9  }
0x27: {  	s1 =	sld [smem:$0x3FAD]  }
0x28: {  	s2 =	sld [smem:$0x3FAE]  }
0x29: {  	s4 =	sld [smem:$0x3FB0]  }
0x2a: {  	p0 =	seq.s32 s5, $0x0;
	s5 =	sld [smem:$0x3FB1]  }
0x2b: {  	s6 =	sld [smem:$0x3FB2]  }
0x2c: {  	s7 =	sld [smem:$0x3FB3]  }
0x2d: {  	s3 =	simm.s32 $0x108;
	s8 =	sld [smem:$0x3FB4]  }
0x2e: {  	s3 =	simm.s32 @!p0 $0x1082;
	s9 =	sld [smem:$0x3FB5]  }
0x2f: {  	lr =	sadd.s32 s0, s3;
	s0 =	sld [smem:$0x3FAC]  }
0x30: {  	s3 =	sld [smem:$0x3FAF]  }
0x31: {  	[smem:$0x3FB8] =	sst s10  }
0x32: {  	s10 =	sld [smem:$0x3FB6];
	_ =	sdelay $0x3  }
0x33: {  	p0 =	seq.s32 s10, $0x1;
	s10 =	sld [smem:$0x3FB8];
	_ =	sdelay $0x3  }
0x34: {  	[smem:$0x3FB8] =	sst s10  }
0x35: {  	s10 =	sld [smem:$0x3FB7];
	_ =	sdelay $0x3  }
0x36: {  	p1 =	seq.s32 s10, $0x1;
	s10 =	sld [smem:$0x3FB8];
	_ =	sdelay $0x3  }
0x37: {  	[smem:$0x3FB8] =	sst s10  }
0x38: {  	s10 =	sld [smem:$0x3FB9]  }
0x39: {  	_ = 	snop;
	(pc) =	sbr.ind lr, $3  }
0x3a: {  	_ = 	snop  }
0x3b: {  	_ = 	snop  }
0x3c: {  	p2 =	seq.s32 s10, $0x1;
	s10 =	sld [smem:$0x3FB8]  }
0x3d: {  	_ =	shalt  }
0x3e: {  	_ =	shalt  }
0x3f: {  	_ =	shalt  }
0x40: {  	_ =	shalt  }
0x41: {  	_ =	shalt  }
0x42: {  	_ =	shalt  }
0x43: {  	_ =	shalt  }
0x44: {  	_ =	shalt  }
0x45: {  	_ =	shalt  }
0x46: {  	_ =	shalt  }
0x47: {  	_ =	shalt  }
0x48: {  	_ =	shalt  }
0x49: {  	_ =	shalt  }
0x4a: {  	_ =	shalt  }
0x4b: {  	_ =	shalt  }
0x4c: {  	_ =	shalt  }
0x4d: {  	_ =	shalt  }
0x4e: {  	_ =	shalt  }
0x4f: {  	_ =	shalt  }
0x50: {  	_ =	shalt  }
0x51: {  	_ =	shalt  }
0x52: {  	_ =	shalt  }
0x53: {  	_ =	shalt  }
0x54: {  	_ =	shalt  }
0x55: {  	_ =	shalt  }
0x56: {  	_ =	shalt  }
0x57: {  	_ =	shalt  }
0x58: {  	_ =	shalt  }
0x59: {  	_ =	shalt  }
0x5a: {  	_ =	shalt  }
0x5b: {  	_ =	shalt  }
0x5c: {  	_ =	shalt  }
0x5d: {  	_ =	shalt  }
0x5e: {  	_ =	shalt  }
0x5f: {  	_ =	shalt  }
0x60: {  	_ =	shalt  }
0x61: {  	_ =	shalt  }
0x62: {  	_ =	shalt  }
0x63: {  	_ =	shalt  }
0x64: {  	_ =	shalt  }
0x65: {  	_ =	shalt  }
0x66: {  	_ =	shalt  }
0x67: {  	_ =	shalt  }
0x68: {  	_ =	shalt  }
0x69: {  	_ =	shalt  }
0x6a: {  	_ =	shalt  }
0x6b: {  	_ =	shalt  }
0x6c: {  	_ =	shalt  }
0x6d: {  	_ =	shalt  }
0x6e: {  	_ =	shalt  }
0x6f: {  	_ =	shalt  }
0x70: {  	_ =	shalt  }
0x71: {  	_ =	shalt  }
0x72: {  	_ =	shalt  }
0x73: {  	_ =	shalt  }
0x74: {  	_ =	shalt  }
0x75: {  	_ =	shalt  }
0x76: {  	_ =	shalt  }
0x77: {  	_ =	shalt  }
0x78: {  	_ =	shalt  }
0x79: {  	_ =	shalt  }
0x7a: {  	_ =	shalt  }
0x7b: {  	_ =	shalt  }
0x7c: {  	_ =	shalt  }
0x7d: {  	_ =	shalt  }
0x7e: {  	_ =	shalt  }
0x7f: {  	_ =	shalt  }
0x80: {  	_ =	shalt  }
0x81: {  	_ =	shalt  }
0x82: {  	_ =	shalt  }
0x83: {  	_ =	shalt  }
0x84: {  	_ =	shalt  }
0x85: {  	_ =	shalt  }
0x86: {  	_ =	shalt  }
0x87: {  	_ =	shalt  }
.Lfunc_end0:
.L_simem_size_0:
called_computation_lowered:
.L_overlay_start_0:
0x88: {  	s2 =	sld [smem:$0x3FD9]  }
0x89: {  	s3 =	sld [smem:$0x3FFE];
	_ =	sdelay $0x1  }
0x8a: {  	s1 =	srdreg.scid  }
0x8b: {  	s0 =	sand.u32 $0x1, s1  }
0x8c: {  	s17 =	sshll.u32 s0, $0xA;
	s2 =	sadd.s32 s3, s2  }
0x8d: {  	s2 =	sadd.s32 s2, s17  }
0x8e: {  	[smem:$0x3FC4] =	sst s2  }
0x8f: {  	_ = 	snop  }
0x90: {  	s2 =	sld [smem:$0x3FD0];
	(tm) =	ssettm $0x1  }
0x91: {  	s18 =	sld [smem:$0x3FFB];
	_ =	sdelay $0x3  }
0x92: {  	_ =	strace s18  }
0x93: {  	s3 =	sld [smem:$0x3FFC];
	_ =	sdelay $0x3  }
0x94: {  	_ =	strace s3  }
0x95: {  	s3 =	sld [smem:$0x3FFD];
	_ =	sdelay $0x3  }
0x96: {  	_ =	strace s3  }
0x97: {  	_ =	strace $0x8FFFFFFF  }
0x98: {  	s19 =	sld [smem:$0x3FDB];
	_ =	sdelay $0x1  }
0x99: {  	s4 =	simm.s32 $_scs_section_size  }
0x9a: {  	s5 =	simm.s32 $_size__tile_overlayer_lowered;
	s6 =	simm.s32 $_tile_overlayer_lowered  }
0x9b: {  	s22 =	simm.s32 $0x1BFF;
	s21 =	sshll.u32 s6, $0x1;
	s3 =	sadd.s32 s4, s19  }
0x9c: {  	s7 =	simm.s32 $0x0;
	s20 =	sshll.u32 s5, $0x1;
	s5 =	sadd.s32 s21, s3  }
0x9d: {  	[timem:s7], [sflag:s22] =	dma.local [hbm:s5], s20  }
0x9e: {  	_ =	swait.ge [sflag:s22], s20  }
0x9f: {  	s4 =	ssub.s32 $0x0, s20;
	[sflag:s22] =	ssyncset.done $0x0  }
0xa0: {  	[sflag:s22] =	ssyncadd.s32 s4;
	_ =	sdelay $0x1  }
0xa1: {  	s23 =	simm.s32 $0x1B8B  }
0xa2: {  	_ =	swait.ge [sflag:s23], $0x1  }
0xa3: {  	[sflag:s23] =	ssyncset.done $0x0  }
0xa4: {  	s25 =	simm.s32 $0x1B8E;
	s24 =	sld [smem:$0x3FFE];
	[sflag:s23] =	ssyncadd.s32 $0xFFFFFFFF  }
0xa5: {  	s26 =	simm.s32 $execute0_lowered;
	[smem:$0x3FD2] =	sst s25  }
0xa6: {  	s5 =	sshll.u32 s26, $0x1;
	_ =	strace $0x80000046;
	[dreg:$0x1] =	wrdreg $0xFFFFFFFF  }
0xa7: {  	s28 =	simm.s32 $_size_execute0_lowered;
	s3 =	sadd.s32 s3, s5;
	[dreg:$0x0] =	wrdreg $0x0  }
0xa8: {  	s5 =	sshll.u32 s28, $0x1;
	[dreg:$0x2] =	wrdreg s3  }
0xa9: {  	[dreg:$0x3] =	wrdreg s5  }
0xaa: {  	[dreg:$0x4] =	wrdreg $0xC0  }
0xab: {  	_ =	task [dreg:s7], $0x5FFFF  }
0xac: {  	[dreg:$0x1] =	wrdreg $0xFFFFFFFF  }
0xad: {  	[dreg:$0x0] =	wrdreg $0x60  }
0xae: {  	[dreg:$0x2] =	wrdreg s24  }
0xaf: {  	[dreg:$0x3] =	wrdreg s2  }
0xb0: {  	[dreg:$0x4] =	wrdreg $0x98000  }
0xb1: {  	[dreg:$0x5] =	wrdreg $0x9  }
0xb2: {  	_ =	task.clear_ibuf [dreg:s7], $0x6FFFF;
	_ =	strace $0x90000046  }
0xb3: {  	s29 =	simm.s32 $0x9;
	_ =	strace $0x80000048  }
0xb4: {  	_ =	swait.ge [sflag:s29], $0x1  }
0xb5: {  	[sflag:s29] =	ssyncadd.s32 $0xFFFFFFFF  }
0xb6: {  	_ =	strace $0x90000048  }
0xb7: {  	_ =	sfence  }
0xb8: {  	s30 =	sld [smem:$0x0];
	_ =	sdelay $0x2  }
0xb9: {  	s31 =	sshll.u32 s1, $0xD;
	s1 =	sshrl.u32 s1, $0x2  }
0xba: {  	s3 =	sand.u32 $0x4000, s31;
	s1 =	sadd.s32 s1, s30  }
0xbb: {  	s0 =	sor.u32 s3, s0;
	s1 =	sshll.u32 s1, $0x11  }
0xbc: {  	s0 =	sor.u32 s1, s0  }
0xbd: {  	s0 =	sadd.s32 $0x8F2B, s0  }
0xbe: {  	[sflag:s0] =	ssyncadd.remote.s32 $0x1  }
0xbf: {  	_ =	sfence.sel $0xFFFF  }
0xc0: {  	[dreg:$0x0] =	wrdreg $0xFFFFFFFF;
	(pc) =	sbr.abs _section_cstart, $3  }
0xc1: {  	[dreg:$0x1] =	wrdreg $0xFFFFFFFF  }
0xc2: {  	_ =	task.clear_ibuf [dreg:s7], $0x2FFFF;
	_ =	strace $0x9FFFFFFF  }
0xc3: {  	(tm) =	ssettm $0x7FFFFFFF  }
tec
execute0_lowered:
.L_overlay_start_1:
0x0: {  	(tag) =	ssettag $0x1  }
0x1: {  	s6 =	rddreg [dreg:$0x0]  }
0x2: {  	s0 =	srdreg.scid;
	s7 =	rddreg [dreg:$0x1]  }
0x3: {  	s2 =	rddreg [dreg:$0x2];
	s1 =	stileid.u32  }
0x4: {  	s3 =	simm.s32 $0x0;
	s19 =	simm.s32 $0x2;
	s20 =	simm.s32 $0x2800  }
0x5: {  	s21 =	simm.s32 $0x5000;
	s8 =	sand.u32 $0x1, s0;
	s0 =	rddreg [dreg:$0x3]  }
0x6: {  	s22 =	simm.s32 $0x80;
	[smem:$0x7FF] =	sst s3;
	s12 =	smul.u32 $0x280, s1  }
0x7: {  	s5 =	sadd.s32 $0x37600, s6;
	s14 =	sadd.s32 $0x38000, s6;
	s24 =	smul.u32 $0x5A000, s1  }
0x8: {  	s4 =	sshll.u32 s8, $0x4;
	_ =	strace $0x80000047;
	s11 =	ssub.s32 $0x2, s8  }
0x9: {  	s16 =	smul.u32 $0x2800, s8;
	s4 =	sor.u32 s1, s4;
	s23 =	sshrl.u32 s11, $0x1  }
0xa: {  	s13 =	sadd.s32 $0x80, s12;
	s26 =	sshrl.u32 s24, $0x2;
	s15 =	sadd.s32 $0x24000, s24  }
0xb: {  	s29 =	sadd.s32 $0x36000, s24;
	s30 =	sadd.s32 $0x48000, s24;
	s24 =	simm.s32 $0x0  }
0xc: {  	s9 =	smul.u32 $0x500, s4;
	s4 =	sadd.s32 $0x600, s6;
	s18 =	ssub.s32 s11, s23  }
0xd: {  	s25 =	smul.u32 $0x240, s13;
	s8 =	sadd.s32 s26, s2;
	s28 =	sshrl.u32 s15, $0x2  }
0xe: {  	s12 =	sadd.s32 s12, s16;
	s13 =	sadd.s32 s16, s13;
	s15 =	sshrl.u32 s29, $0x2  }
0xf: {  	s31 =	sshrl.u32 s30, $0x2;
	s23 =	simm.s32 $0x1;
	s12 =	smul.u32 $0x12, s12  }
0x10: {  	s17 =	smul.u32 $0x12, s13;
	s11 =	sadd.s32 s15, s2;
	s13 =	sadd.s32 s31, s2  }
0x11: {  	s10 =	sadd.s32 s9, s6;
	s7 =	sadd.s32 s7, s9;
	s9 =	sshrl.u32 s25, $0x2  }
0x12: {  	s18 =	smax.u32 s18, $0x1;
	s6 =	sadd.s32 $0x2D600, s10;
	s9 =	sadd.s32 s9, s2  }
0x13: {  	s10 =	sadd.s32 s28, s2;
	s12 =	sadd.s32 s14, s12;
	s14 =	sadd.s32 s14, s17  }
0x14: {  	s15 =	sadd.s32 $0x1200, s12;
	s16 =	sadd.s32 $0x1B00, s12;
	s17 =	sadd.s32 $0x2400, s12  }
.LBB2_1:
0x15: {  	[tilespmem:s3], [sflag:$0x2] =	stream.linear.gather [hbm4b:s6+s3], $0x2800, $0x38;
	v63 =	vld [tilespmem:$0x0]  }
0x16: {  	_ =	swait.ge [sflag:s19], $0x2800  }
0x17: {  	[sflag:s19] =	ssyncset.done $0x0  }
0x18: {  	[sflag:s19] =	ssyncadd.s32 $0xFFFFD800  }
0x19: {  	[tilespmem:s20], [sflag:$0x2] =	stream.linear.gather [hbm4b:s7+s3], $0x2800, $0x38;
	v63 =	vld [tilespmem:$0x0]  }
0x1a: {  	_ =	swait.ge [sflag:s19], $0x2800  }
0x1b: {  	[sflag:s19] =	ssyncset.done $0x0  }
0x1c: {  	[sflag:s19] =	ssyncadd.s32 $0xFFFFD800  }
0x1d: {  	[tilespmem:s21], [sflag:$0x2] =	stream.linear.gather [hbm4b:s5+s3], $0x4800, $0x38;
	v63 =	vld [tilespmem:$0x0]  }
0x1e: {  	_ =	swait.ge [sflag:s19], $0x4800  }
0x1f: {  	[sflag:s19] =	ssyncset.done $0x0  }
0x20: {  	[sflag:s19] =	ssyncadd.s32 $0xFFFFB800  }
0x21: {  	[spmem:s8] =	stream.linear.scatter [tilespmem:s21], [sflag:$0x2], $0x4800, $0x38;
	v63 =	vld [tilespmem:$0x0]  }
0x22: {  	_ =	swait.ge [sflag:s19], $0x4800  }
0x23: {  	[sflag:s19] =	ssyncset.done $0x0  }
0x24: {  	[sflag:s19] =	ssyncadd.s32 $0xFFFFB800  }
0x25: {  	[spmem:s9] =	stream.linear.scatter [tilespmem:s21], [sflag:$0x2], $0x4800, $0x38;
	v63 =	vld [tilespmem:$0x0]  }
0x26: {  	_ =	swait.ge [sflag:s19], $0x4800  }
0x27: {  	[sflag:s19] =	ssyncset.done $0x0  }
0x28: {  	[sflag:s19] =	ssyncadd.s32 $0xFFFFB800  }
0x29: {  	[spmem:s10] =	stream.linear.scatter [tilespmem:s21], [sflag:$0x2], $0x4800, $0x38;
	v63 =	vld [tilespmem:$0x0]  }
0x2a: {  	_ =	swait.ge [sflag:s19], $0x4800  }
0x2b: {  	[sflag:s19] =	ssyncset.done $0x0  }
0x2c: {  	[sflag:s19] =	ssyncadd.s32 $0xFFFFB800  }
0x2d: {  	[spmem:s11] =	stream.linear.scatter [tilespmem:s21], [sflag:$0x2], $0x4800, $0x38;
	v63 =	vld [tilespmem:$0x0]  }
0x2e: {  	_ =	swait.ge [sflag:s19], $0x4800  }
0x2f: {  	[sflag:s19] =	ssyncset.done $0x0  }
0x30: {  	[sflag:s19] =	ssyncadd.s32 $0xFFFFB800  }
0x31: {  	[spmem:s13] =	stream.linear.scatter [tilespmem:s21], [sflag:$0x2], $0x4800, $0x38;
	v63 =	vld [tilespmem:$0x0]  }
0x32: {  	_ =	swait.ge [sflag:s19], $0x4800  }
0x33: {  	[sflag:s19] =	ssyncset.done $0x0  }
0x34: {  	[sflag:s19] =	ssyncadd.s32 $0xFFFFB800  }
0x35: {  	s25 =	simm.s32 $0x0;
	[bflag:$0x0] =	sbarrier.arrive $0xFFFF  }
0x36: {  	[tilespmem:s21], [sflag:$0x1] =	stream.indirect.gather [hbm4b:s4+s22], $0x90, s25, s22, $0xb8;
	v63 =	vld [tilespmem:$0x0]  }
0x37: {  	_ =	swait.ge [sflag:s23], $0x4800  }
0x38: {  	[sflag:s23] =	ssyncset.done $0x0  }
0x39: {  	s31 =	simm.s32 $0x2800;
	[sflag:s23] =	ssyncadd.s32 $0xFFFFB800  }
0x3a: {  	[spmem:s2] =	stream.indirect.scatter.add.f32 [tilespmem:s21], [sflag:$0x2], $0x90, s31, s22, $0xb8;
	v63 =	vld [tilespmem:$0x0]  }
0x3b: {  	_ =	swait.ge [sflag:s19], $0x4800  }
0x3c: {  	s26 =	simm.s32 $0x400;
	s25 =	simm.s32 $0x200;
	[sflag:s19] =	ssyncset.done $0x0  }
.LBB2_2:
0x3d: {  	s28 =	sshra.s32 s25, $0x2  }
0x3e: {  	[sflag:s19] =	ssyncadd.s32 $0xFFFFB800;
	s25 =	smov.u32 s26;
	s29 =	sadd.s32 $0x200, s26  }
0x3f: {  	[tilespmem:s21], [sflag:$0x1] =	stream.indirect.gather [hbm4b:s4+s22], $0x90, s28, s22, $0xb8;
	v63 =	vld [tilespmem:$0x0]  }
0x40: {  	p0 =	sne.s32 s26, $0x9E00;
	_ =	swait.ge [sflag:s23], $0x4800  }
.Ltmp0:
0x41: {  	[sflag:s23] =	ssyncset.done $0x0;
	(pc) =	sbr.rel @p0 .LBB2_2-.Ltmp0, $4  }
0x42: {  	s26 =	sadd.s32 $0x2800, s28;
	[sflag:s23] =	ssyncadd.s32 $0xFFFFB800  }
0x43: {  	[spmem:s2] =	stream.indirect.scatter.add.f32 [tilespmem:s21], [sflag:$0x2], $0x90, s26, s22, $0xb8;
	v63 =	vld [tilespmem:$0x0]  }
0x44: {  	_ =	swait.ge [sflag:s19], $0x4800  }
0x45: {  	s26 =	smov.u32 s29;
	[sflag:s19] =	ssyncset.done $0x0  }
0x46: {  	s25 =	sshra.s32 s25, $0x2;
	[sflag:s19] =	ssyncadd.s32 $0xFFFFB800  }
0x47: {  	[tilespmem:s21], [sflag:$0x1] =	stream.indirect.gather [hbm4b:s4+s22], $0x90, s25, s22, $0xb8;
	v63 =	vld [tilespmem:$0x0]  }
0x48: {  	_ =	swait.ge [sflag:s23], $0x4800  }
0x49: {  	[sflag:s23] =	ssyncset.done $0x0  }
0x4a: {  	s25 =	sadd.s32 $0x2800, s25;
	[sflag:s23] =	ssyncadd.s32 $0xFFFFB800  }
0x4b: {  	[spmem:s2] =	stream.indirect.scatter.add.f32 [tilespmem:s21], [sflag:$0x2], $0x90, s25, s22, $0xb8;
	v63 =	vld [tilespmem:$0x0]  }
0x4c: {  	_ =	swait.ge [sflag:s19], $0x4800  }
0x4d: {  	[sflag:s19] =	ssyncset.done $0x0  }
0x4e: {  	s26 =	sshll.u32 s1, $0x6;
	[sflag:s19] =	ssyncadd.s32 $0xFFFFB800  }
0x4f: {  	s25 =	sor.u32 $0x1C02, s26;
	s26 =	sshrl.u32 s8, $0x3;
	[bflag:$0x0] =	sbarrier.arrive $0xFFFF  }
0x50: {  	[hbm:s12], [sflag:s25] =	dma.local [spmem:s26], $0x900  }
0x51: {  	_ =	swait.ge [sflag:s19], $0x900  }
0x52: {  	[sflag:s19] =	ssyncset.done $0x0  }
0x53: {  	s28 =	sshrl.u32 s9, $0x3;
	[sflag:s19] =	ssyncadd.s32 $0xFFFFF700  }
0x54: {  	[hbm:s14], [sflag:s25] =	dma.local [spmem:s28], $0x900  }
0x55: {  	_ =	swait.ge [sflag:s19], $0x900  }
0x56: {  	[sflag:s19] =	ssyncset.done $0x0  }
0x57: {  	s29 =	sshrl.u32 s10, $0x3;
	[sflag:s19] =	ssyncadd.s32 $0xFFFFF700  }
0x58: {  	[hbm:s15], [sflag:s25] =	dma.local [spmem:s29], $0x900  }
0x59: {  	_ =	swait.ge [sflag:s19], $0x900  }
0x5a: {  	[sflag:s19] =	ssyncset.done $0x0  }
0x5b: {  	s30 =	sshrl.u32 s11, $0x3;
	[sflag:s19] =	ssyncadd.s32 $0xFFFFF700  }
0x5c: {  	[hbm:s16], [sflag:s25] =	dma.local [spmem:s30], $0x900  }
0x5d: {  	s24 =	sadd.s32 $0x1, s24;
	_ =	swait.ge [sflag:s19], $0x900  }
0x5e: {  	p0 =	sne.s32 s24, s18;
	[sflag:s19] =	ssyncset.done $0x0  }
.Ltmp1:
0x5f: {  	s31 =	sshrl.u32 s13, $0x3;
	[sflag:s19] =	ssyncadd.s32 $0xFFFFF700;
	(pc) =	sbr.rel @p0 .LBB2_1-.Ltmp1, $4  }
0x60: {  	[hbm:s17], [sflag:s25] =	dma.local [spmem:s31], $0x900  }
0x61: {  	_ =	swait.ge [sflag:s19], $0x900  }
0x62: {  	[sflag:s19] =	ssyncset.done $0x0  }
0x63: {  	[sflag:s19] =	ssyncadd.s32 $0xFFFFF700  }
0x64: {  	_ =	sfence.sel $0x180000  }
0x65: {  	[bflag:$0x0] =	sbarrier.arrive $0xFFFF  }
0x66: {  	p0 =	sne.s32 s1, $0x0;
	_ =	strace $0x90000047  }
0x67: {  	s0 =	sadd.s32 @!p0 $0x100000, s0;
	[bflag:$0x2] =	sbarrier.arrive $0xFFFF  }
0x68: {  	[sflag:s0] =	ssyncadd.tile.s32 @!p0 $0x1;
	_ =	shalt  }
.Lfunc_end2:
_tile_overlayer_lowered:
.L_overlay_start_2:
0x69: {  	(tag) =	ssettag $0x2  }
0x6a: {  	s0 =	rddreg [dreg:$0x0];
	s2 =	stileid.u32  }
0x6b: {  	s1 =	rddreg [dreg:$0x1];
	p0 =	sne.s32 s2, $0x0  }
0x6c: {  	s3 =	rddreg [dreg:$0x2];
	[bflag:$0x3] =	sbarrier.arrive $0xFFFF;
	s2 =	simm.s32 @!p0 $0x1C02  }
0x6d: {  	[timem:s3], [sflag:s2] =	dma.local @!p0 [hbm:s0], s1  }
0x6e: {  	s0 =	simm.s32 @!p0 $0x2  }
0x6f: {  	_ =	swait.ge @!p0 [sflag:s0], s1  }
0x70: {  	s1 =	ssub.s32 @!p0 $0x0, s1;
	[sflag:s0] =	ssyncset.done @!p0 $0x0  }
0x71: {  	[sflag:s0] =	ssyncadd.s32 @!p0 s1  }
0x72: {  	[bflag:$0x3] =	sbarrier.arrive $0xFFFF  }
0x73: {  	_ =	shalt  }

</sc_bundles>
